<compile_context>
chip_gen: v7x
topology: tpu7x:2x2x1
jax: 0.10.2.dev20260603
libtpu: 0.0.44.dev20260713+nightly
codegen_flags: <defaults>
</compile_context>

<pallas_src>
import functools

import jax
import jax.numpy as jnp
from jax import lax
from jax.experimental import pallas as pl
from jax.experimental.pallas import tpu as pltpu
from jax.experimental.pallas import tpu_sc as plsc

R, C, K = 16384, 512, 128
NC, NS = 2, 16
NW = NC * NS
ROWS_PER_W = R // NW
CH = 64
NCH = ROWS_PER_W // CH

_mesh = plsc.VectorSubcoreMesh(core_axis_name="c", subcore_axis_name="s")


@functools.partial(
    pl.kernel,
    mesh=_mesh,
    out_type=jax.ShapeDtypeStruct((R, K), jnp.float32),
    scratch_types=[
        pltpu.VMEM((2, CH, C), jnp.float32),
        pltpu.VMEM((2, CH, K), jnp.float32),
        pltpu.SemaphoreType.DMA,
        pltpu.SemaphoreType.DMA,
    ],
    compiler_params=pltpu.CompilerParams(needs_layout_passes=False),
)
def _sc_extract(in_hbm, out_hbm, inbuf, outbuf, in_sem, out_sem):
    wid = lax.axis_index("s") * NC + lax.axis_index("c")
    lane = lax.iota(jnp.int32, 16)
    colv = [lane * 4 + 64 * g for g in range(K // 16)]
    base = wid * ROWS_PER_W

    def in_copy(ch):
        return pltpu.make_async_copy(
            in_hbm.at[pl.ds(base + ch * CH, CH), :],
            inbuf.at[lax.rem(ch, 2)], in_sem)

    def out_copy(ch):
        return pltpu.make_async_copy(
            outbuf.at[lax.rem(ch, 2)],
            out_hbm.at[pl.ds(base + ch * CH, CH), :], out_sem)

    in_copy(0).start()
    in_copy(1).start()

    def chunk_body(ch, _):
        in_copy(ch).wait()

        @pl.when(ch >= 2)
        def _():
            out_copy(ch - 2).wait()

        ib = inbuf.at[lax.rem(ch, 2)]
        ob = outbuf.at[lax.rem(ch, 2)]

        @plsc.parallel_loop(0, CH, unroll=2)
        def body(r, ib=ib, ob=ob, colv=colv):
            rows = jnp.full((16,), r, jnp.int32)
            for g in range(K // 16):
                ob[r, pl.ds(g * 16, 16)] = plsc.load_gather(ib, [rows, colv[g]])
        out_copy(ch).start()

        @pl.when(ch + 2 < NCH)
        def _():
            in_copy(ch + 2).start()

        return 0

    lax.fori_loop(0, NCH, chunk_body, 0, unroll=1)
    out_copy(NCH - 2).wait()
    out_copy(NCH - 1).wait()


def kernel(inputs):
    return _sc_extract(inputs)

# --- scband reference (transcript-rebuilt; emitter-appended) ---
"""Pipeline reference for scband-extract-cols-57483842289685 (READ-ONLY COPY).

The authoritative reference and input builder live on the scoring server;
editing this copy changes nothing except your own understanding.
"""

import jax, jax.numpy as jnp
import numpy as np

COLS = jnp.array(list(range(0, 512, 4)), dtype=jnp.int32)  # 128 columns, matches init_kwargs cols


def setup_inputs(seed: int = 0) -> dict:
    key = jax.random.key(seed)
    inputs = jax.random.normal(key, (16384, 512), dtype=jnp.float32)
    return {"inputs": inputs}


def reference(inputs):
    # tf.gather(inputs, self.cols, axis=1)
    return jnp.take(inputs, COLS, axis=1)

if __name__ == "__main__":
    import jax
    _d = setup_inputs()
    print(jax.jit(kernel)(*tuple(_d.values())))

</pallas_src>

<mosaic_0001>
#map = affine_map<(d0, d1) -> (0, 0)>
module attributes {stable_mosaic.version = 14 : i64} {
  func.func @_sc_extract(%arg0: i32, %arg1: i32, %arg2: memref<16384x512xf32, #tpu.memory_space<hbm>>, %arg3: memref<16384x128xf32, #tpu.memory_space<hbm>>, %arg4: memref<2x64x512xf32, #tpu.memory_space<vmem>>, %arg5: memref<2x64x128xf32, #tpu.memory_space<vmem>>, %arg6: memref<!tpu.dma_semaphore, #tpu.memory_space<semaphore_mem>>, %arg7: memref<!tpu.dma_semaphore, #tpu.memory_space<semaphore_mem>>) attributes {dimension_semantics = [#tpu.dimension_semantics<core_parallel>, #tpu.dimension_semantics<subcore_parallel>], iteration_bounds = array<i64: 2, 16>, scalar_prefetch = 0 : i64, scratch_operands = 4 : i64, tpu.core_type = #tpu.core_type<sc_vector_subcore>, window_params = [{transform_indices = #map}, {transform_indices = #map}]} {
    %mul3A = arith.constant 2 : i32
    %mul3A_0 = arith.muli %arg1, %mul3A : i32
    %add3A = arith.addi %mul3A_0, %arg0 : i32
    %iota3A = tpu.iota {dimensions = array<i32: 0>} : vector<16xi32>
    %mul3A_1 = arith.constant 4 : i32
    %mul3A_2 = vector.broadcast %mul3A_1 : i32 to vector<16xi32>
    %mul3A_3 = arith.muli %iota3A, %mul3A_2 : vector<16xi32>
    %add3A_4 = arith.constant 0 : i32
    %add3A_5 = vector.broadcast %add3A_4 : i32 to vector<16xi32>
    %add3A_6 = arith.addi %mul3A_3, %add3A_5 : vector<16xi32>
    %mul3A_7 = arith.constant 4 : i32
    %mul3A_8 = vector.broadcast %mul3A_7 : i32 to vector<16xi32>
    %mul3A_9 = arith.muli %iota3A, %mul3A_8 : vector<16xi32>
    %add3A_10 = arith.constant 64 : i32
    %add3A_11 = vector.broadcast %add3A_10 : i32 to vector<16xi32>
    %add3A_12 = arith.addi %mul3A_9, %add3A_11 : vector<16xi32>
    %mul3A_13 = arith.constant 4 : i32
    %mul3A_14 = vector.broadcast %mul3A_13 : i32 to vector<16xi32>
    %mul3A_15 = arith.muli %iota3A, %mul3A_14 : vector<16xi32>
    %add3A_16 = arith.constant 128 : i32
    %add3A_17 = vector.broadcast %add3A_16 : i32 to vector<16xi32>
    %add3A_18 = arith.addi %mul3A_15, %add3A_17 : vector<16xi32>
    %mul3A_19 = arith.constant 4 : i32
    %mul3A_20 = vector.broadcast %mul3A_19 : i32 to vector<16xi32>
    %mul3A_21 = arith.muli %iota3A, %mul3A_20 : vector<16xi32>
    %add3A_22 = arith.constant 192 : i32
    %add3A_23 = vector.broadcast %add3A_22 : i32 to vector<16xi32>
    %add3A_24 = arith.addi %mul3A_21, %add3A_23 : vector<16xi32>
    %mul3A_25 = arith.constant 4 : i32
    %mul3A_26 = vector.broadcast %mul3A_25 : i32 to vector<16xi32>
    %mul3A_27 = arith.muli %iota3A, %mul3A_26 : vector<16xi32>
    %add3A_28 = arith.constant 256 : i32
    %add3A_29 = vector.broadcast %add3A_28 : i32 to vector<16xi32>
    %add3A_30 = arith.addi %mul3A_27, %add3A_29 : vector<16xi32>
    %mul3A_31 = arith.constant 4 : i32
    %mul3A_32 = vector.broadcast %mul3A_31 : i32 to vector<16xi32>
    %mul3A_33 = arith.muli %iota3A, %mul3A_32 : vector<16xi32>
    %add3A_34 = arith.constant 320 : i32
    %add3A_35 = vector.broadcast %add3A_34 : i32 to vector<16xi32>
    %add3A_36 = arith.addi %mul3A_33, %add3A_35 : vector<16xi32>
    %mul3A_37 = arith.constant 4 : i32
    %mul3A_38 = vector.broadcast %mul3A_37 : i32 to vector<16xi32>
    %mul3A_39 = arith.muli %iota3A, %mul3A_38 : vector<16xi32>
    %add3A_40 = arith.constant 384 : i32
    %add3A_41 = vector.broadcast %add3A_40 : i32 to vector<16xi32>
    %add3A_42 = arith.addi %mul3A_39, %add3A_41 : vector<16xi32>
    %mul3A_43 = arith.constant 4 : i32
    %mul3A_44 = vector.broadcast %mul3A_43 : i32 to vector<16xi32>
    %mul3A_45 = arith.muli %iota3A, %mul3A_44 : vector<16xi32>
    %add3A_46 = arith.constant 448 : i32
    %add3A_47 = vector.broadcast %add3A_46 : i32 to vector<16xi32>
    %add3A_48 = arith.addi %mul3A_45, %add3A_47 : vector<16xi32>
    %mul3A_49 = arith.constant 512 : i32
    %mul3A_50 = arith.muli %add3A, %mul3A_49 : i32
    %add3A_51 = arith.constant 0 : i32
    %add3A_52 = arith.addi %mul3A_50, %add3A_51 : i32
    %rem3A = arith.constant 0 : i32
    %rem3A_53 = arith.constant 2 : i32
    %rem3A_54 = arith.remsi %rem3A, %rem3A_53 : i32
    %dma_start3A = arith.constant 0 : i32
    %dma_start3A_55 = arith.constant 0 : i32
    %dma_start3A_56 = tpu.memref_slice %arg4[%rem3A_54, %dma_start3A, %dma_start3A_55] : memref<2x64x512xf32, #tpu.memory_space<vmem>> -> memref<1x64x512xf32, #tpu.memory_space<vmem>>
    %dma_start3A_57 = tpu.memref_squeeze %dma_start3A_56 : memref<1x64x512xf32, #tpu.memory_space<vmem>> -> memref<64x512xf32, #tpu.memory_space<vmem>>
    %dma_start3A_58 = arith.constant 0 : i32
    %dma_start3A_59 = tpu.memref_slice %arg2[%add3A_52, %dma_start3A_58] : memref<16384x512xf32, #tpu.memory_space<hbm>> -> memref<64x512xf32, #tpu.memory_space<hbm>>
    %dma_start3A_60 = arith.constant 0 : i32
    %dma_start3A_61 = arith.constant 0 : i32
    %dma_start3A_62 = tpu.memref_slice %arg4[%rem3A_54, %dma_start3A_60, %dma_start3A_61] : memref<2x64x512xf32, #tpu.memory_space<vmem>> -> memref<1x64x512xf32, #tpu.memory_space<vmem>>
    %dma_start3A_63 = tpu.memref_squeeze %dma_start3A_62 : memref<1x64x512xf32, #tpu.memory_space<vmem>> -> memref<64x512xf32, #tpu.memory_space<vmem>>
    %dma_start3A_64 = arith.constant 0 : i32
    %dma_start3A_65 = tpu.memref_slice %arg2[%add3A_52, %dma_start3A_64] : memref<16384x512xf32, #tpu.memory_space<hbm>> -> memref<64x512xf32, #tpu.memory_space<hbm>>
    tpu.enqueue_dma source(%dma_start3A_65 : memref<64x512xf32, #tpu.memory_space<hbm>>) target(%dma_start3A_63 : memref<64x512xf32, #tpu.memory_space<vmem>>) target_semaphore(%arg6 : memref<!tpu.dma_semaphore, #tpu.memory_space<semaphore_mem>>)
    %add3A_66 = arith.constant 64 : i32
    %add3A_67 = arith.addi %mul3A_50, %add3A_66 : i32
    %rem3A_68 = arith.constant 1 : i32
    %rem3A_69 = arith.constant 2 : i32
    %rem3A_70 = arith.remsi %rem3A_68, %rem3A_69 : i32
    %dma_start3A_71 = arith.constant 0 : i32
    %dma_start3A_72 = arith.constant 0 : i32
    %dma_start3A_73 = tpu.memref_slice %arg4[%rem3A_70, %dma_start3A_71, %dma_start3A_72] : memref<2x64x512xf32, #tpu.memory_space<vmem>> -> memref<1x64x512xf32, #tpu.memory_space<vmem>>
    %dma_start3A_74 = tpu.memref_squeeze %dma_start3A_73 : memref<1x64x512xf32, #tpu.memory_space<vmem>> -> memref<64x512xf32, #tpu.memory_space<vmem>>
    %dma_start3A_75 = arith.constant 0 : i32
    %dma_start3A_76 = tpu.memref_slice %arg2[%add3A_67, %dma_start3A_75] : memref<16384x512xf32, #tpu.memory_space<hbm>> -> memref<64x512xf32, #tpu.memory_space<hbm>>
    %dma_start3A_77 = arith.constant 0 : i32
    %dma_start3A_78 = arith.constant 0 : i32
    %dma_start3A_79 = tpu.memref_slice %arg4[%rem3A_70, %dma_start3A_77, %dma_start3A_78] : memref<2x64x512xf32, #tpu.memory_space<vmem>> -> memref<1x64x512xf32, #tpu.memory_space<vmem>>
    %dma_start3A_80 = tpu.memref_squeeze %dma_start3A_79 : memref<1x64x512xf32, #tpu.memory_space<vmem>> -> memref<64x512xf32, #tpu.memory_space<vmem>>
    %dma_start3A_81 = arith.constant 0 : i32
    %dma_start3A_82 = tpu.memref_slice %arg2[%add3A_67, %dma_start3A_81] : memref<16384x512xf32, #tpu.memory_space<hbm>> -> memref<64x512xf32, #tpu.memory_space<hbm>>
    tpu.enqueue_dma source(%dma_start3A_82 : memref<64x512xf32, #tpu.memory_space<hbm>>) target(%dma_start3A_80 : memref<64x512xf32, #tpu.memory_space<vmem>>) target_semaphore(%arg6 : memref<!tpu.dma_semaphore, #tpu.memory_space<semaphore_mem>>)
    %scan3A = arith.constant 0 : i32
    %scan3A_83 = arith.constant 0 : i32
    %scan3A_84 = arith.constant 8 : i32
    %scan3A_85 = arith.addi %scan3A_83, %scan3A_84 : i32
    %scan3A_86 = arith.constant 1 : i32
    %scan3A_87 = scf.for %scan3A_122 = %scan3A_83 to %scan3A_85 step %scan3A_86 iter_args(%scan3A_123 = %scan3A) -> (i32)  : i32 {
      %mul3A_124 = arith.constant 64 : i32
      %mul3A_125 = arith.muli %scan3A_122, %mul3A_124 : i32
      %add3A_126 = arith.addi %mul3A_50, %mul3A_125 : i32
      %rem3A_127 = arith.constant 2 : i32
      %rem3A_128 = arith.remsi %scan3A_122, %rem3A_127 : i32
      %dma_wait3A_129 = arith.constant 0 : i32
      %dma_wait3A_130 = arith.constant 0 : i32
      %dma_wait3A_131 = tpu.memref_slice %arg4[%rem3A_128, %dma_wait3A_129, %dma_wait3A_130] : memref<2x64x512xf32, #tpu.memory_space<vmem>> -> memref<1x64x512xf32, #tpu.memory_space<vmem>>
      %dma_wait3A_132 = tpu.memref_squeeze %dma_wait3A_131 : memref<1x64x512xf32, #tpu.memory_space<vmem>> -> memref<64x512xf32, #tpu.memory_space<vmem>>
      %dma_wait3A_133 = arith.constant 0 : i32
      %dma_wait3A_134 = tpu.memref_slice %arg2[%add3A_126, %dma_wait3A_133] : memref<16384x512xf32, #tpu.memory_space<hbm>> -> memref<64x512xf32, #tpu.memory_space<hbm>>
      %dma_wait3A_135 = arith.constant 0 : i32
      %dma_wait3A_136 = arith.constant 0 : i32
      %dma_wait3A_137 = tpu.memref_slice %arg4[%rem3A_128, %dma_wait3A_135, %dma_wait3A_136] : memref<2x64x512xf32, #tpu.memory_space<vmem>> -> memref<1x64x512xf32, #tpu.memory_space<vmem>>
      %dma_wait3A_138 = tpu.memref_squeeze %dma_wait3A_137 : memref<1x64x512xf32, #tpu.memory_space<vmem>> -> memref<64x512xf32, #tpu.memory_space<vmem>>
      %dma_wait3A_139 = arith.constant 0 : i32
      %dma_wait3A_140 = tpu.memref_slice %arg2[%add3A_126, %dma_wait3A_139] : memref<16384x512xf32, #tpu.memory_space<hbm>> -> memref<64x512xf32, #tpu.memory_space<hbm>>
      tpu.wait_dma2 semaphore(%arg6 : memref<!tpu.dma_semaphore, #tpu.memory_space<semaphore_mem>>) src(%dma_wait3A_140 : memref<64x512xf32, #tpu.memory_space<hbm>>) dst(%dma_wait3A_138 : memref<64x512xf32, #tpu.memory_space<vmem>>)
      %ge3A = arith.constant 2 : i32
      %ge3A_141 = arith.cmpi sge, %scan3A_122, %ge3A : i32
      %convert_element_type3A = arith.extui %ge3A_141 : i1 to i32
      %cond3A = arith.constant 0 : i32
      %cond3A_142 = arith.cmpi ne, %convert_element_type3A, %cond3A : i32
      scf.if %cond3A_142 {
        %sub3A = arith.constant 2 : i32
        %sub3A_173 = arith.subi %scan3A_122, %sub3A : i32
        %rem3A_174 = arith.constant 2 : i32
        %rem3A_175 = arith.remsi %sub3A_173, %rem3A_174 : i32
        %mul3A_176 = arith.constant 64 : i32
        %mul3A_177 = arith.muli %sub3A_173, %mul3A_176 : i32
        %add3A_178 = arith.addi %mul3A_50, %mul3A_177 : i32
        %dma_wait3A_179 = arith.constant 0 : i32
        %dma_wait3A_180 = arith.constant 0 : i32
        %dma_wait3A_181 = tpu.memref_slice %arg5[%rem3A_175, %dma_wait3A_179, %dma_wait3A_180] : memref<2x64x128xf32, #tpu.memory_space<vmem>> -> memref<1x64x128xf32, #tpu.memory_space<vmem>>
        %dma_wait3A_182 = tpu.memref_squeeze %dma_wait3A_181 : memref<1x64x128xf32, #tpu.memory_space<vmem>> -> memref<64x128xf32, #tpu.memory_space<vmem>>
        %dma_wait3A_183 = arith.constant 0 : i32
        %dma_wait3A_184 = tpu.memref_slice %arg3[%add3A_178, %dma_wait3A_183] : memref<16384x128xf32, #tpu.memory_space<hbm>> -> memref<64x128xf32, #tpu.memory_space<hbm>>
        %dma_wait3A_185 = arith.constant 0 : i32
        %dma_wait3A_186 = tpu.memref_slice %arg3[%add3A_178, %dma_wait3A_185] : memref<16384x128xf32, #tpu.memory_space<hbm>> -> memref<64x128xf32, #tpu.memory_space<hbm>>
        %dma_wait3A_187 = arith.constant 0 : i32
        %dma_wait3A_188 = arith.constant 0 : i32
        %dma_wait3A_189 = tpu.memref_slice %arg5[%rem3A_175, %dma_wait3A_187, %dma_wait3A_188] : memref<2x64x128xf32, #tpu.memory_space<vmem>> -> memref<1x64x128xf32, #tpu.memory_space<vmem>>
        %dma_wait3A_190 = tpu.memref_squeeze %dma_wait3A_189 : memref<1x64x128xf32, #tpu.memory_space<vmem>> -> memref<64x128xf32, #tpu.memory_space<vmem>>
        tpu.wait_dma2 semaphore(%arg7 : memref<!tpu.dma_semaphore, #tpu.memory_space<semaphore_mem>>) src(%dma_wait3A_190 : memref<64x128xf32, #tpu.memory_space<vmem>>) dst(%dma_wait3A_186 : memref<64x128xf32, #tpu.memory_space<hbm>>)
      } else {
      }
      %rem3A_143 = arith.constant 2 : i32
      %rem3A_144 = arith.remsi %scan3A_122, %rem3A_143 : i32
      %rem3A_145 = arith.constant 2 : i32
      %rem3A_146 = arith.remsi %scan3A_122, %rem3A_145 : i32
      %parallel_loop3A = arith.constant 0 : i32
      %parallel_loop3A_147 = arith.constant 64 : i32
      %parallel_loop3A_148 = arith.constant 1 : i32
      scf.for %parallel_loop3A_173 = %parallel_loop3A to %parallel_loop3A_147 step %parallel_loop3A_148  : i32 {
        %parallel_loop3A_174 = vector.broadcast %parallel_loop3A_173 : i32 to vector<16xi32>
        %parallel_loop3A_175 = arith.constant 0 : i32
        %parallel_loop3A_176 = arith.constant 0 : i32
        %parallel_loop3A_177 = tpu.memref_slice %arg4[%rem3A_144, %parallel_loop3A_175, %parallel_loop3A_176] : memref<2x64x512xf32, #tpu.memory_space<vmem>> -> memref<1x64x512xf32, #tpu.memory_space<vmem>>
        %parallel_loop3A_178 = tpu.memref_squeeze %parallel_loop3A_177 : memref<1x64x512xf32, #tpu.memory_space<vmem>> -> memref<64x512xf32, #tpu.memory_space<vmem>>
        %parallel_loop3A_179 = tpu.vector_load_idx %parallel_loop3A_178[%parallel_loop3A_174, %add3A_6] : memref<64x512xf32, #tpu.memory_space<vmem>>[vector<16xi32>, vector<16xi32>], vector<16xf32>,
        %parallel_loop3A_180 = arith.constant 0 : i32
        %parallel_loop3A_181 = arith.constant 0 : i32
        %parallel_loop3A_182 = tpu.memref_slice %arg5[%rem3A_146, %parallel_loop3A_180, %parallel_loop3A_181] : memref<2x64x128xf32, #tpu.memory_space<vmem>> -> memref<1x64x128xf32, #tpu.memory_space<vmem>>
        %parallel_loop3A_183 = tpu.memref_squeeze %parallel_loop3A_182 : memref<1x64x128xf32, #tpu.memory_space<vmem>> -> memref<64x128xf32, #tpu.memory_space<vmem>>
        %parallel_loop3A_184 = arith.index_cast %parallel_loop3A_173 : i32 to index
        %parallel_loop3A_185 = arith.constant 0 : index
        %parallel_loop3A_186 = tpu.vector_load %parallel_loop3A_183[%parallel_loop3A_184, %parallel_loop3A_185] {strides = array<i32>} : memref<64x128xf32, #tpu.memory_space<vmem>>, vector<16xf32>,
        tpu.vector_store %parallel_loop3A_183[%parallel_loop3A_184, %parallel_loop3A_185], %parallel_loop3A_179 {strides = array<i32>} : memref<64x128xf32, #tpu.memory_space<vmem>>, vector<16xf32>,
        %parallel_loop3A_187 = arith.constant 0 : i32
        %parallel_loop3A_188 = arith.constant 0 : i32
        %parallel_loop3A_189 = tpu.memref_slice %arg4[%rem3A_144, %parallel_loop3A_187, %parallel_loop3A_188] : memref<2x64x512xf32, #tpu.memory_space<vmem>> -> memref<1x64x512xf32, #tpu.memory_space<vmem>>
        %parallel_loop3A_190 = tpu.memref_squeeze %parallel_loop3A_189 : memref<1x64x512xf32, #tpu.memory_space<vmem>> -> memref<64x512xf32, #tpu.memory_space<vmem>>
        %parallel_loop3A_191 = tpu.vector_load_idx %parallel_loop3A_190[%parallel_loop3A_174, %add3A_12] : memref<64x512xf32, #tpu.memory_space<vmem>>[vector<16xi32>, vector<16xi32>], vector<16xf32>,
        %parallel_loop3A_192 = arith.constant 0 : i32
        %parallel_loop3A_193 = arith.constant 0 : i32
        %parallel_loop3A_194 = tpu.memref_slice %arg5[%rem3A_146, %parallel_loop3A_192, %parallel_loop3A_193] : memref<2x64x128xf32, #tpu.memory_space<vmem>> -> memref<1x64x128xf32, #tpu.memory_space<vmem>>
        %parallel_loop3A_195 = tpu.memref_squeeze %parallel_loop3A_194 : memref<1x64x128xf32, #tpu.memory_space<vmem>> -> memref<64x128xf32, #tpu.memory_space<vmem>>
        %parallel_loop3A_196 = arith.index_cast %parallel_loop3A_173 : i32 to index
        %parallel_loop3A_197 = arith.constant 16 : index
        %parallel_loop3A_198 = tpu.vector_load %parallel_loop3A_195[%parallel_loop3A_196, %parallel_loop3A_197] {strides = array<i32>} : memref<64x128xf32, #tpu.memory_space<vmem>>, vector<16xf32>,
        tpu.vector_store %parallel_loop3A_195[%parallel_loop3A_196, %parallel_loop3A_197], %parallel_loop3A_191 {strides = array<i32>} : memref<64x128xf32, #tpu.memory_space<vmem>>, vector<16xf32>,
        %parallel_loop3A_199 = arith.constant 0 : i32
        %parallel_loop3A_200 = arith.constant 0 : i32
        %parallel_loop3A_201 = tpu.memref_slice %arg4[%rem3A_144, %parallel_loop3A_199, %parallel_loop3A_200] : memref<2x64x512xf32, #tpu.memory_space<vmem>> -> memref<1x64x512xf32, #tpu.memory_space<vmem>>
        %parallel_loop3A_202 = tpu.memref_squeeze %parallel_loop3A_201 : memref<1x64x512xf32, #tpu.memory_space<vmem>> -> memref<64x512xf32, #tpu.memory_space<vmem>>
        %parallel_loop3A_203 = tpu.vector_load_idx %parallel_loop3A_202[%parallel_loop3A_174, %add3A_18] : memref<64x512xf32, #tpu.memory_space<vmem>>[vector<16xi32>, vector<16xi32>], vector<16xf32>,
        %parallel_loop3A_204 = arith.constant 0 : i32
        %parallel_loop3A_205 = arith.constant 0 : i32
        %parallel_loop3A_206 = tpu.memref_slice %arg5[%rem3A_146, %parallel_loop3A_204, %parallel_loop3A_205] : memref<2x64x128xf32, #tpu.memory_space<vmem>> -> memref<1x64x128xf32, #tpu.memory_space<vmem>>
        %parallel_loop3A_207 = tpu.memref_squeeze %parallel_loop3A_206 : memref<1x64x128xf32, #tpu.memory_space<vmem>> -> memref<64x128xf32, #tpu.memory_space<vmem>>
        %parallel_loop3A_208 = arith.index_cast %parallel_loop3A_173 : i32 to index
        %parallel_loop3A_209 = arith.constant 32 : index
        %parallel_loop3A_210 = tpu.vector_load %parallel_loop3A_207[%parallel_loop3A_208, %parallel_loop3A_209] {strides = array<i32>} : memref<64x128xf32, #tpu.memory_space<vmem>>, vector<16xf32>,
        tpu.vector_store %parallel_loop3A_207[%parallel_loop3A_208, %parallel_loop3A_209], %parallel_loop3A_203 {strides = array<i32>} : memref<64x128xf32, #tpu.memory_space<vmem>>, vector<16xf32>,
        %parallel_loop3A_211 = arith.constant 0 : i32
        %parallel_loop3A_212 = arith.constant 0 : i32
        %parallel_loop3A_213 = tpu.memref_slice %arg4[%rem3A_144, %parallel_loop3A_211, %parallel_loop3A_212] : memref<2x64x512xf32, #tpu.memory_space<vmem>> -> memref<1x64x512xf32, #tpu.memory_space<vmem>>
        %parallel_loop3A_214 = tpu.memref_squeeze %parallel_loop3A_213 : memref<1x64x512xf32, #tpu.memory_space<vmem>> -> memref<64x512xf32, #tpu.memory_space<vmem>>
        %parallel_loop3A_215 = tpu.vector_load_idx %parallel_loop3A_214[%parallel_loop3A_174, %add3A_24] : memref<64x512xf32, #tpu.memory_space<vmem>>[vector<16xi32>, vector<16xi32>], vector<16xf32>,
        %parallel_loop3A_216 = arith.constant 0 : i32
        %parallel_loop3A_217 = arith.constant 0 : i32
        %parallel_loop3A_218 = tpu.memref_slice %arg5[%rem3A_146, %parallel_loop3A_216, %parallel_loop3A_217] : memref<2x64x128xf32, #tpu.memory_space<vmem>> -> memref<1x64x128xf32, #tpu.memory_space<vmem>>
        %parallel_loop3A_219 = tpu.memref_squeeze %parallel_loop3A_218 : memref<1x64x128xf32, #tpu.memory_space<vmem>> -> memref<64x128xf32, #tpu.memory_space<vmem>>
        %parallel_loop3A_220 = arith.index_cast %parallel_loop3A_173 : i32 to index
        %parallel_loop3A_221 = arith.constant 48 : index
        %parallel_loop3A_222 = tpu.vector_load %parallel_loop3A_219[%parallel_loop3A_220, %parallel_loop3A_221] {strides = array<i32>} : memref<64x128xf32, #tpu.memory_space<vmem>>, vector<16xf32>,
        tpu.vector_store %parallel_loop3A_219[%parallel_loop3A_220, %parallel_loop3A_221], %parallel_loop3A_215 {strides = array<i32>} : memref<64x128xf32, #tpu.memory_space<vmem>>, vector<16xf32>,
        %parallel_loop3A_223 = arith.constant 0 : i32
        %parallel_loop3A_224 = arith.constant 0 : i32
        %parallel_loop3A_225 = tpu.memref_slice %arg4[%rem3A_144, %parallel_loop3A_223, %parallel_loop3A_224] : memref<2x64x512xf32, #tpu.memory_space<vmem>> -> memref<1x64x512xf32, #tpu.memory_space<vmem>>
        %parallel_loop3A_226 = tpu.memref_squeeze %parallel_loop3A_225 : memref<1x64x512xf32, #tpu.memory_space<vmem>> -> memref<64x512xf32, #tpu.memory_space<vmem>>
        %parallel_loop3A_227 = tpu.vector_load_idx %parallel_loop3A_226[%parallel_loop3A_174, %add3A_30] : memref<64x512xf32, #tpu.memory_space<vmem>>[vector<16xi32>, vector<16xi32>], vector<16xf32>,
        %parallel_loop3A_228 = arith.constant 0 : i32
        %parallel_loop3A_229 = arith.constant 0 : i32
        %parallel_loop3A_230 = tpu.memref_slice %arg5[%rem3A_146, %parallel_loop3A_228, %parallel_loop3A_229] : memref<2x64x128xf32, #tpu.memory_space<vmem>> -> memref<1x64x128xf32, #tpu.memory_space<vmem>>
        %parallel_loop3A_231 = tpu.memref_squeeze %parallel_loop3A_230 : memref<1x64x128xf32, #tpu.memory_space<vmem>> -> memref<64x128xf32, #tpu.memory_space<vmem>>
        %parallel_loop3A_232 = arith.index_cast %parallel_loop3A_173 : i32 to index
        %parallel_loop3A_233 = arith.constant 64 : index
        %parallel_loop3A_234 = tpu.vector_load %parallel_loop3A_231[%parallel_loop3A_232, %parallel_loop3A_233] {strides = array<i32>} : memref<64x128xf32, #tpu.memory_space<vmem>>, vector<16xf32>,
        tpu.vector_store %parallel_loop3A_231[%parallel_loop3A_232, %parallel_loop3A_233], %parallel_loop3A_227 {strides = array<i32>} : memref<64x128xf32, #tpu.memory_space<vmem>>, vector<16xf32>,
        %parallel_loop3A_235 = arith.constant 0 : i32
        %parallel_loop3A_236 = arith.constant 0 : i32
        %parallel_loop3A_237 = tpu.memref_slice %arg4[%rem3A_144, %parallel_loop3A_235, %parallel_loop3A_236] : memref<2x64x512xf32, #tpu.memory_space<vmem>> -> memref<1x64x512xf32, #tpu.memory_space<vmem>>
        %parallel_loop3A_238 = tpu.memref_squeeze %parallel_loop3A_237 : memref<1x64x512xf32, #tpu.memory_space<vmem>> -> memref<64x512xf32, #tpu.memory_space<vmem>>
        %parallel_loop3A_239 = tpu.vector_load_idx %parallel_loop3A_238[%parallel_loop3A_174, %add3A_36] : memref<64x512xf32, #tpu.memory_space<vmem>>[vector<16xi32>, vector<16xi32>], vector<16xf32>,
        %parallel_loop3A_240 = arith.constant 0 : i32
        %parallel_loop3A_241 = arith.constant 0 : i32
        %parallel_loop3A_242 = tpu.memref_slice %arg5[%rem3A_146, %parallel_loop3A_240, %parallel_loop3A_241] : memref<2x64x128xf32, #tpu.memory_space<vmem>> -> memref<1x64x128xf32, #tpu.memory_space<vmem>>
        %parallel_loop3A_243 = tpu.memref_squeeze %parallel_loop3A_242 : memref<1x64x128xf32, #tpu.memory_space<vmem>> -> memref<64x128xf32, #tpu.memory_space<vmem>>
        %parallel_loop3A_244 = arith.index_cast %parallel_loop3A_173 : i32 to index
        %parallel_loop3A_245 = arith.constant 80 : index
        %parallel_loop3A_246 = tpu.vector_load %parallel_loop3A_243[%parallel_loop3A_244, %parallel_loop3A_245] {strides = array<i32>} : memref<64x128xf32, #tpu.memory_space<vmem>>, vector<16xf32>,
        tpu.vector_store %parallel_loop3A_243[%parallel_loop3A_244, %parallel_loop3A_245], %parallel_loop3A_239 {strides = array<i32>} : memref<64x128xf32, #tpu.memory_space<vmem>>, vector<16xf32>,
        %parallel_loop3A_247 = arith.constant 0 : i32
        %parallel_loop3A_248 = arith.constant 0 : i32
        %parallel_loop3A_249 = tpu.memref_slice %arg4[%rem3A_144, %parallel_loop3A_247, %parallel_loop3A_248] : memref<2x64x512xf32, #tpu.memory_space<vmem>> -> memref<1x64x512xf32, #tpu.memory_space<vmem>>
        %parallel_loop3A_250 = tpu.memref_squeeze %parallel_loop3A_249 : memref<1x64x512xf32, #tpu.memory_space<vmem>> -> memref<64x512xf32, #tpu.memory_space<vmem>>
        %parallel_loop3A_251 = tpu.vector_load_idx %parallel_loop3A_250[%parallel_loop3A_174, %add3A_42] : memref<64x512xf32, #tpu.memory_space<vmem>>[vector<16xi32>, vector<16xi32>], vector<16xf32>,
        %parallel_loop3A_252 = arith.constant 0 : i32
        %parallel_loop3A_253 = arith.constant 0 : i32
        %parallel_loop3A_254 = tpu.memref_slice %arg5[%rem3A_146, %parallel_loop3A_252, %parallel_loop3A_253] : memref<2x64x128xf32, #tpu.memory_space<vmem>> -> memref<1x64x128xf32, #tpu.memory_space<vmem>>
        %parallel_loop3A_255 = tpu.memref_squeeze %parallel_loop3A_254 : memref<1x64x128xf32, #tpu.memory_space<vmem>> -> memref<64x128xf32, #tpu.memory_space<vmem>>
        %parallel_loop3A_256 = arith.index_cast %parallel_loop3A_173 : i32 to index
        %parallel_loop3A_257 = arith.constant 96 : index
        %parallel_loop3A_258 = tpu.vector_load %parallel_loop3A_255[%parallel_loop3A_256, %parallel_loop3A_257] {strides = array<i32>} : memref<64x128xf32, #tpu.memory_space<vmem>>, vector<16xf32>,
        tpu.vector_store %parallel_loop3A_255[%parallel_loop3A_256, %parallel_loop3A_257], %parallel_loop3A_251 {strides = array<i32>} : memref<64x128xf32, #tpu.memory_space<vmem>>, vector<16xf32>,
        %parallel_loop3A_259 = arith.constant 0 : i32
        %parallel_loop3A_260 = arith.constant 0 : i32
        %parallel_loop3A_261 = tpu.memref_slice %arg4[%rem3A_144, %parallel_loop3A_259, %parallel_loop3A_260] : memref<2x64x512xf32, #tpu.memory_space<vmem>> -> memref<1x64x512xf32, #tpu.memory_space<vmem>>
        %parallel_loop3A_262 = tpu.memref_squeeze %parallel_loop3A_261 : memref<1x64x512xf32, #tpu.memory_space<vmem>> -> memref<64x512xf32, #tpu.memory_space<vmem>>
        %parallel_loop3A_263 = tpu.vector_load_idx %parallel_loop3A_262[%parallel_loop3A_174, %add3A_48] : memref<64x512xf32, #tpu.memory_space<vmem>>[vector<16xi32>, vector<16xi32>], vector<16xf32>,
        %parallel_loop3A_264 = arith.constant 0 : i32
        %parallel_loop3A_265 = arith.constant 0 : i32
        %parallel_loop3A_266 = tpu.memref_slice %arg5[%rem3A_146, %parallel_loop3A_264, %parallel_loop3A_265] : memref<2x64x128xf32, #tpu.memory_space<vmem>> -> memref<1x64x128xf32, #tpu.memory_space<vmem>>
        %parallel_loop3A_267 = tpu.memref_squeeze %parallel_loop3A_266 : memref<1x64x128xf32, #tpu.memory_space<vmem>> -> memref<64x128xf32, #tpu.memory_space<vmem>>
        %parallel_loop3A_268 = arith.index_cast %parallel_loop3A_173 : i32 to index
        %parallel_loop3A_269 = arith.constant 112 : index
        %parallel_loop3A_270 = tpu.vector_load %parallel_loop3A_267[%parallel_loop3A_268, %parallel_loop3A_269] {strides = array<i32>} : memref<64x128xf32, #tpu.memory_space<vmem>>, vector<16xf32>,
        tpu.vector_store %parallel_loop3A_267[%parallel_loop3A_268, %parallel_loop3A_269], %parallel_loop3A_263 {strides = array<i32>} : memref<64x128xf32, #tpu.memory_space<vmem>>, vector<16xf32>,
      } {sc.loop_unroll_factor = 2 : i64, sc.parallel_access}
      %rem3A_149 = arith.constant 2 : i32
      %rem3A_150 = arith.remsi %scan3A_122, %rem3A_149 : i32
      %mul3A_151 = arith.constant 64 : i32
      %mul3A_152 = arith.muli %scan3A_122, %mul3A_151 : i32
      %add3A_153 = arith.addi %mul3A_50, %mul3A_152 : i32
      %dma_start3A_154 = arith.constant 0 : i32
      %dma_start3A_155 = arith.constant 0 : i32
      %dma_start3A_156 = tpu.memref_slice %arg5[%rem3A_150, %dma_start3A_154, %dma_start3A_155] : memref<2x64x128xf32, #tpu.memory_space<vmem>> -> memref<1x64x128xf32, #tpu.memory_space<vmem>>
      %dma_start3A_157 = tpu.memref_squeeze %dma_start3A_156 : memref<1x64x128xf32, #tpu.memory_space<vmem>> -> memref<64x128xf32, #tpu.memory_space<vmem>>
      %dma_start3A_158 = arith.constant 0 : i32
      %dma_start3A_159 = tpu.memref_slice %arg3[%add3A_153, %dma_start3A_158] : memref<16384x128xf32, #tpu.memory_space<hbm>> -> memref<64x128xf32, #tpu.memory_space<hbm>>
      %dma_start3A_160 = arith.constant 0 : i32
      %dma_start3A_161 = tpu.memref_slice %arg3[%add3A_153, %dma_start3A_160] : memref<16384x128xf32, #tpu.memory_space<hbm>> -> memref<64x128xf32, #tpu.memory_space<hbm>>
      %dma_start3A_162 = arith.constant 0 : i32
      %dma_start3A_163 = arith.constant 0 : i32
      %dma_start3A_164 = tpu.memref_slice %arg5[%rem3A_150, %dma_start3A_162, %dma_start3A_163] : memref<2x64x128xf32, #tpu.memory_space<vmem>> -> memref<1x64x128xf32, #tpu.memory_space<vmem>>
      %dma_start3A_165 = tpu.memref_squeeze %dma_start3A_164 : memref<1x64x128xf32, #tpu.memory_space<vmem>> -> memref<64x128xf32, #tpu.memory_space<vmem>>
      tpu.enqueue_dma source(%dma_start3A_165 : memref<64x128xf32, #tpu.memory_space<vmem>>) target(%dma_start3A_161 : memref<64x128xf32, #tpu.memory_space<hbm>>) target_semaphore(%arg7 : memref<!tpu.dma_semaphore, #tpu.memory_space<semaphore_mem>>)
      %add3A_166 = arith.constant 2 : i32
      %add3A_167 = arith.addi %scan3A_122, %add3A_166 : i32
      %lt3A = arith.constant 8 : i32
      %lt3A_168 = arith.cmpi slt, %add3A_167, %lt3A : i32
      %convert_element_type3A_169 = arith.extui %lt3A_168 : i1 to i32
      %cond3A_170 = arith.constant 0 : i32
      %cond3A_171 = arith.cmpi ne, %convert_element_type3A_169, %cond3A_170 : i32
      scf.if %cond3A_171 {
        %add3A_173 = arith.constant 2 : i32
        %add3A_174 = arith.addi %scan3A_122, %add3A_173 : i32
        %mul3A_175 = arith.constant 64 : i32
        %mul3A_176 = arith.muli %add3A_174, %mul3A_175 : i32
        %add3A_177 = arith.addi %mul3A_50, %mul3A_176 : i32
        %rem3A_178 = arith.constant 2 : i32
        %rem3A_179 = arith.remsi %add3A_174, %rem3A_178 : i32
        %dma_start3A_180 = arith.constant 0 : i32
        %dma_start3A_181 = arith.constant 0 : i32
        %dma_start3A_182 = tpu.memref_slice %arg4[%rem3A_179, %dma_start3A_180, %dma_start3A_181] : memref<2x64x512xf32, #tpu.memory_space<vmem>> -> memref<1x64x512xf32, #tpu.memory_space<vmem>>
        %dma_start3A_183 = tpu.memref_squeeze %dma_start3A_182 : memref<1x64x512xf32, #tpu.memory_space<vmem>> -> memref<64x512xf32, #tpu.memory_space<vmem>>
        %dma_start3A_184 = arith.constant 0 : i32
        %dma_start3A_185 = tpu.memref_slice %arg2[%add3A_177, %dma_start3A_184] : memref<16384x512xf32, #tpu.memory_space<hbm>> -> memref<64x512xf32, #tpu.memory_space<hbm>>
        %dma_start3A_186 = arith.constant 0 : i32
        %dma_start3A_187 = arith.constant 0 : i32
        %dma_start3A_188 = tpu.memref_slice %arg4[%rem3A_179, %dma_start3A_186, %dma_start3A_187] : memref<2x64x512xf32, #tpu.memory_space<vmem>> -> memref<1x64x512xf32, #tpu.memory_space<vmem>>
        %dma_start3A_189 = tpu.memref_squeeze %dma_start3A_188 : memref<1x64x512xf32, #tpu.memory_space<vmem>> -> memref<64x512xf32, #tpu.memory_space<vmem>>
        %dma_start3A_190 = arith.constant 0 : i32
        %dma_start3A_191 = tpu.memref_slice %arg2[%add3A_177, %dma_start3A_190] : memref<16384x512xf32, #tpu.memory_space<hbm>> -> memref<64x512xf32, #tpu.memory_space<hbm>>
        tpu.enqueue_dma source(%dma_start3A_191 : memref<64x512xf32, #tpu.memory_space<hbm>>) target(%dma_start3A_189 : memref<64x512xf32, #tpu.memory_space<vmem>>) target_semaphore(%arg6 : memref<!tpu.dma_semaphore, #tpu.memory_space<semaphore_mem>>)
      } else {
      }
      %scan3A_172 = arith.constant 0 : i32
      scf.yield %scan3A_172 : i32
    }
    %scan3A_88 = arith.constant 8 : i32
    %rem3A_89 = arith.constant 6 : i32
    %rem3A_90 = arith.constant 2 : i32
    %rem3A_91 = arith.remsi %rem3A_89, %rem3A_90 : i32
    %add3A_92 = arith.constant 384 : i32
    %add3A_93 = arith.addi %mul3A_50, %add3A_92 : i32
    %dma_wait3A = arith.constant 0 : i32
    %dma_wait3A_94 = arith.constant 0 : i32
    %dma_wait3A_95 = tpu.memref_slice %arg5[%rem3A_91, %dma_wait3A, %dma_wait3A_94] : memref<2x64x128xf32, #tpu.memory_space<vmem>> -> memref<1x64x128xf32, #tpu.memory_space<vmem>>
    %dma_wait3A_96 = tpu.memref_squeeze %dma_wait3A_95 : memref<1x64x128xf32, #tpu.memory_space<vmem>> -> memref<64x128xf32, #tpu.memory_space<vmem>>
    %dma_wait3A_97 = arith.constant 0 : i32
    %dma_wait3A_98 = tpu.memref_slice %arg3[%add3A_93, %dma_wait3A_97] : memref<16384x128xf32, #tpu.memory_space<hbm>> -> memref<64x128xf32, #tpu.memory_space<hbm>>
    %dma_wait3A_99 = arith.constant 0 : i32
    %dma_wait3A_100 = tpu.memref_slice %arg3[%add3A_93, %dma_wait3A_99] : memref<16384x128xf32, #tpu.memory_space<hbm>> -> memref<64x128xf32, #tpu.memory_space<hbm>>
    %dma_wait3A_101 = arith.constant 0 : i32
    %dma_wait3A_102 = arith.constant 0 : i32
    %dma_wait3A_103 = tpu.memref_slice %arg5[%rem3A_91, %dma_wait3A_101, %dma_wait3A_102] : memref<2x64x128xf32, #tpu.memory_space<vmem>> -> memref<1x64x128xf32, #tpu.memory_space<vmem>>
    %dma_wait3A_104 = tpu.memref_squeeze %dma_wait3A_103 : memref<1x64x128xf32, #tpu.memory_space<vmem>> -> memref<64x128xf32, #tpu.memory_space<vmem>>
    tpu.wait_dma2 semaphore(%arg7 : memref<!tpu.dma_semaphore, #tpu.memory_space<semaphore_mem>>) src(%dma_wait3A_104 : memref<64x128xf32, #tpu.memory_space<vmem>>) dst(%dma_wait3A_100 : memref<64x128xf32, #tpu.memory_space<hbm>>)
    %rem3A_105 = arith.constant 7 : i32
    %rem3A_106 = arith.constant 2 : i32
    %rem3A_107 = arith.remsi %rem3A_105, %rem3A_106 : i32
    %add3A_108 = arith.constant 448 : i32
    %add3A_109 = arith.addi %mul3A_50, %add3A_108 : i32
    %dma_wait3A_110 = arith.constant 0 : i32
    %dma_wait3A_111 = arith.constant 0 : i32
    %dma_wait3A_112 = tpu.memref_slice %arg5[%rem3A_107, %dma_wait3A_110, %dma_wait3A_111] : memref<2x64x128xf32, #tpu.memory_space<vmem>> -> memref<1x64x128xf32, #tpu.memory_space<vmem>>
    %dma_wait3A_113 = tpu.memref_squeeze %dma_wait3A_112 : memref<1x64x128xf32, #tpu.memory_space<vmem>> -> memref<64x128xf32, #tpu.memory_space<vmem>>
    %dma_wait3A_114 = arith.constant 0 : i32
    %dma_wait3A_115 = tpu.memref_slice %arg3[%add3A_109, %dma_wait3A_114] : memref<16384x128xf32, #tpu.memory_space<hbm>> -> memref<64x128xf32, #tpu.memory_space<hbm>>
    %dma_wait3A_116 = arith.constant 0 : i32
    %dma_wait3A_117 = tpu.memref_slice %arg3[%add3A_109, %dma_wait3A_116] : memref<16384x128xf32, #tpu.memory_space<hbm>> -> memref<64x128xf32, #tpu.memory_space<hbm>>
    %dma_wait3A_118 = arith.constant 0 : i32
    %dma_wait3A_119 = arith.constant 0 : i32
    %dma_wait3A_120 = tpu.memref_slice %arg5[%rem3A_107, %dma_wait3A_118, %dma_wait3A_119] : memref<2x64x128xf32, #tpu.memory_space<vmem>> -> memref<1x64x128xf32, #tpu.memory_space<vmem>>
    %dma_wait3A_121 = tpu.memref_squeeze %dma_wait3A_120 : memref<1x64x128xf32, #tpu.memory_space<vmem>> -> memref<64x128xf32, #tpu.memory_space<vmem>>
    tpu.wait_dma2 semaphore(%arg7 : memref<!tpu.dma_semaphore, #tpu.memory_space<semaphore_mem>>) src(%dma_wait3A_121 : memref<64x128xf32, #tpu.memory_space<vmem>>) dst(%dma_wait3A_117 : memref<64x128xf32, #tpu.memory_space<hbm>>)
    return
  }
}

</mosaic_0001>

<sc_bundles>
// kernel: kernel.3.cloned.1.call-start
scs
__scs_entry_jumppad:
0x0: {  	(pc) =	sbr.rel $0x88, $3  }
0x1: {  	(tag) =	ssettag $0x0;
	lr =	simm.s32 $0x1  }
0x2: {  	[smem:$0x3FA0] =	sst lr;
	_ =	strace $0xD0000000  }
0x3: {  	_ = 	snop  }
0x4: {  	_ = 	snop  }
0x5: {  	_ = 	snop  }
0x6: {  	_ = 	snop  }
0x7: {  	_ = 	snop  }
__scs_overlays_trampoline_lowered:
0x8: {  	[smem:$0x3FAF] =	sst s0  }
0x9: {  	[smem:$0x3FB0] =	sst s1  }
0xa: {  	[smem:$0x3FB1] =	sst s2  }
0xb: {  	[smem:$0x3FB2] =	sst s3  }
0xc: {  	[smem:$0x3FB3] =	sst s4  }
0xd: {  	[smem:$0x3FB4] =	sst s5  }
0xe: {  	[smem:$0x3FB5] =	sst s6  }
0xf: {  	[smem:$0x3FB6] =	sst s7  }
0x10: {  	[smem:$0x3FB7] =	sst s8  }
0x11: {  	[smem:$0x3FB8] =	sst s9;
	s0 =	simm.s32 @!p0 $0x0  }
0x12: {  	s1 =	sld [smem:$0x3F9E];
	s0 =	simm.s32 @p0 $0x1  }
0x13: {  	[smem:$0x3FB9] =	sst s0;
	s0 =	simm.s32 @!p1 $0x0  }
0x14: {  	s2 =	sld [smem:$0x3F9D];
	s0 =	simm.s32 @p1 $0x1  }
0x15: {  	[smem:$0x3FBA] =	sst s0;
	s0 =	simm.s32 @!p2 $0x0  }
0x16: {  	s3 =	sld [smem:$0x3FDB];
	s0 =	simm.s32 @p2 $0x1  }
0x17: {  	s4 =	simm.s32 $0x1BF5;
	[smem:$0x3FBC] =	sst s0  }
0x18: {  	s0 =	sld [smem:$0x3F9F];
	_ =	swait.ge [sflag:s4], $0x0  }
0x19: {  	s7 =	sld [smem:$0x3FA0]  }
0x1a: {  	s8 =	sadd.s32 $0xFFFFE003, lr  }
0x1b: {  	s9 =	sadd.s32 $0xFFFFFEF7, lr;
	s5 =	simm.s32 $0xFFFFFFFF;
	p2 =	slt.u32 s8, $0xFFFFF086  }
0x1c: {  	p1 =	slt.u32 s9, $0xF7A;
	s5 =	simm.s32 @!p2 $0x0  }
0x1d: {  	s5 =	simm.s32 @p1 $0x1;
	p0 =	seq.s32 s7, s2  }
0x1e: {  	s7 =	smul.u32 @!p0 $0xF7A, s2;
	p2 =	seq.s32 @!p0 s5, $0x0  }
0x1f: {  	s9 =	smul.u32 $0xF7A, s1;
	s8 =	simm.s32 @!p0 $0x1BF5;
	p2 =	por !p2, p0  }
0x20: {  	[sflag:s8] =	ssyncset.s32 @!p0 $0xFFFFF086;
	s6 =	sadd.s32 @!p0 s3, s7;
	s7 =	simm.s32 @!p0 $0x108  }
0x21: {  	s3 =	sadd.s32 s3, s9;
	s6 =	sadd.s32 @!p0 $0x88, s6;
	s7 =	simm.s32 @p2 $0x1082  }
0x22: {  	[simem:s7], [sflag:s8] =	dma.local @!p0 [hbm:s6], $0xF7A  }
0x23: {  	s9 =	sor.u32 $0xD0000000, s2;
	s6 =	simm.s32 $0x108;
	_ =	swait.ge @!p0 [sflag:s8], $0x0  }
0x24: {  	s3 =	sadd.s32 $0x88, s3;
	s6 =	simm.s32 @!p1 $0x1082;
	[sflag:s4] =	ssyncset.s32 $0xFFFFF086  }
0x25: {  	[simem:s6], [sflag:s4] =	dma.local [hbm:s3], $0xF7A  }
0x26: {  	[smem:$0x3FA0] =	sst s1;
	(tag) =	ssettag s2;
	_ =	strace s9  }
0x27: {  	s1 =	sld [smem:$0x3FB0]  }
0x28: {  	s2 =	sld [smem:$0x3FB1]  }
0x29: {  	s4 =	sld [smem:$0x3FB3]  }
0x2a: {  	p0 =	seq.s32 s5, $0x0;
	s5 =	sld [smem:$0x3FB4]  }
0x2b: {  	s6 =	sld [smem:$0x3FB5]  }
0x2c: {  	s7 =	sld [smem:$0x3FB6]  }
0x2d: {  	s3 =	simm.s32 $0x108;
	s8 =	sld [smem:$0x3FB7]  }
0x2e: {  	s3 =	simm.s32 @!p0 $0x1082;
	s9 =	sld [smem:$0x3FB8]  }
0x2f: {  	lr =	sadd.s32 s0, s3;
	s0 =	sld [smem:$0x3FAF]  }
0x30: {  	s3 =	sld [smem:$0x3FB2]  }
0x31: {  	[smem:$0x3FBB] =	sst s10  }
0x32: {  	s10 =	sld [smem:$0x3FB9];
	_ =	sdelay $0x3  }
0x33: {  	p0 =	seq.s32 s10, $0x1;
	s10 =	sld [smem:$0x3FBB];
	_ =	sdelay $0x3  }
0x34: {  	[smem:$0x3FBB] =	sst s10  }
0x35: {  	s10 =	sld [smem:$0x3FBA];
	_ =	sdelay $0x3  }
0x36: {  	p1 =	seq.s32 s10, $0x1;
	s10 =	sld [smem:$0x3FBB];
	_ =	sdelay $0x3  }
0x37: {  	[smem:$0x3FBB] =	sst s10  }
0x38: {  	s10 =	sld [smem:$0x3FBC]  }
0x39: {  	_ = 	snop;
	(pc) =	sbr.ind lr, $3  }
0x3a: {  	_ = 	snop  }
0x3b: {  	_ = 	snop  }
0x3c: {  	p2 =	seq.s32 s10, $0x1;
	s10 =	sld [smem:$0x3FBB]  }
0x3d: {  	_ =	shalt  }
0x3e: {  	_ =	shalt  }
0x3f: {  	_ =	shalt  }
0x40: {  	_ =	shalt  }
0x41: {  	_ =	shalt  }
0x42: {  	_ =	shalt  }
0x43: {  	_ =	shalt  }
0x44: {  	_ =	shalt  }
0x45: {  	_ =	shalt  }
0x46: {  	_ =	shalt  }
0x47: {  	_ =	shalt  }
0x48: {  	_ =	shalt  }
0x49: {  	_ =	shalt  }
0x4a: {  	_ =	shalt  }
0x4b: {  	_ =	shalt  }
0x4c: {  	_ =	shalt  }
0x4d: {  	_ =	shalt  }
0x4e: {  	_ =	shalt  }
0x4f: {  	_ =	shalt  }
0x50: {  	_ =	shalt  }
0x51: {  	_ =	shalt  }
0x52: {  	_ =	shalt  }
0x53: {  	_ =	shalt  }
0x54: {  	_ =	shalt  }
0x55: {  	_ =	shalt  }
0x56: {  	_ =	shalt  }
0x57: {  	_ =	shalt  }
0x58: {  	_ =	shalt  }
0x59: {  	_ =	shalt  }
0x5a: {  	_ =	shalt  }
0x5b: {  	_ =	shalt  }
0x5c: {  	_ =	shalt  }
0x5d: {  	_ =	shalt  }
0x5e: {  	_ =	shalt  }
0x5f: {  	_ =	shalt  }
0x60: {  	_ =	shalt  }
0x61: {  	_ =	shalt  }
0x62: {  	_ =	shalt  }
0x63: {  	_ =	shalt  }
0x64: {  	_ =	shalt  }
0x65: {  	_ =	shalt  }
0x66: {  	_ =	shalt  }
0x67: {  	_ =	shalt  }
0x68: {  	_ =	shalt  }
0x69: {  	_ =	shalt  }
0x6a: {  	_ =	shalt  }
0x6b: {  	_ =	shalt  }
0x6c: {  	_ =	shalt  }
0x6d: {  	_ =	shalt  }
0x6e: {  	_ =	shalt  }
0x6f: {  	_ =	shalt  }
0x70: {  	_ =	shalt  }
0x71: {  	_ =	shalt  }
0x72: {  	_ =	shalt  }
0x73: {  	_ =	shalt  }
0x74: {  	_ =	shalt  }
0x75: {  	_ =	shalt  }
0x76: {  	_ =	shalt  }
0x77: {  	_ =	shalt  }
0x78: {  	_ =	shalt  }
0x79: {  	_ =	shalt  }
0x7a: {  	_ =	shalt  }
0x7b: {  	_ =	shalt  }
0x7c: {  	_ =	shalt  }
0x7d: {  	_ =	shalt  }
0x7e: {  	_ =	shalt  }
0x7f: {  	_ =	shalt  }
0x80: {  	_ =	shalt  }
0x81: {  	_ =	shalt  }
0x82: {  	_ =	shalt  }
0x83: {  	_ =	shalt  }
0x84: {  	_ =	shalt  }
0x85: {  	_ =	shalt  }
0x86: {  	_ =	shalt  }
0x87: {  	_ =	shalt  }
.Lfunc_end0:
.L_simem_size_0:
called_computation_lowered:
.L_overlay_start_0:
0x88: {  	s2 =	sld [smem:$0x3FD9]  }
0x89: {  	s3 =	sld [smem:$0x3FFE];
	_ =	sdelay $0x1  }
0x8a: {  	s1 =	srdreg.scid  }
0x8b: {  	s0 =	sand.u32 $0x1, s1  }
0x8c: {  	s18 =	sshll.u32 s0, $0xA;
	s2 =	sadd.s32 s3, s2  }
0x8d: {  	s2 =	sadd.s32 s2, s18  }
0x8e: {  	[smem:$0x3FC7] =	sst s2  }
0x8f: {  	_ = 	snop  }
0x90: {  	s2 =	sld [smem:$0x3FC9]  }
0x91: {  	s19 =	sld [smem:$0x3FD0];
	(tm) =	ssettm $0x1  }
0x92: {  	s4 =	sld [smem:$0x3FFB];
	_ =	sdelay $0x3  }
0x93: {  	_ =	strace s4  }
0x94: {  	s4 =	sld [smem:$0x3FFC];
	_ =	sdelay $0x3  }
0x95: {  	_ =	strace s4  }
0x96: {  	s4 =	sld [smem:$0x3FFD];
	_ =	sdelay $0x3  }
0x97: {  	_ =	strace s4  }
0x98: {  	_ =	strace $0x8FFFFFFF  }
0x99: {  	s20 =	sld [smem:$0x3FDB];
	_ =	sdelay $0x1  }
0x9a: {  	s5 =	simm.s32 $_scs_section_size  }
0x9b: {  	s6 =	simm.s32 $_size__tile_overlayer_lowered;
	s7 =	simm.s32 $_tile_overlayer_lowered  }
0x9c: {  	s23 =	simm.s32 $0x1BFF;
	s22 =	sshll.u32 s7, $0x1;
	s4 =	sadd.s32 s5, s20  }
0x9d: {  	s8 =	simm.s32 $0x0;
	s21 =	sshll.u32 s6, $0x1;
	s6 =	sadd.s32 s22, s4  }
0x9e: {  	[timem:s8], [sflag:s23] =	dma.local [hbm:s6], s21  }
0x9f: {  	_ =	swait.ge [sflag:s23], s21  }
0xa0: {  	s5 =	ssub.s32 $0x0, s21;
	[sflag:s23] =	ssyncset.done $0x0  }
0xa1: {  	[sflag:s23] =	ssyncadd.s32 s5;
	_ =	sdelay $0x1  }
0xa2: {  	s24 =	simm.s32 $0x1B8B  }
0xa3: {  	_ =	swait.ge [sflag:s24], $0x1  }
0xa4: {  	[sflag:s24] =	ssyncset.done $0x0  }
0xa5: {  	s25 =	simm.s32 $0x1B8E;
	[sflag:s24] =	ssyncadd.s32 $0xFFFFFFFF  }
0xa6: {  	s26 =	simm.s32 $execute0_lowered;
	[smem:$0x3FD2] =	sst s25  }
0xa7: {  	s5 =	sshll.u32 s26, $0x1;
	_ =	strace $0x80000046;
	[dreg:$0x1] =	wrdreg $0xFFFFFFFF  }
0xa8: {  	s28 =	simm.s32 $_size_execute0_lowered;
	s4 =	sadd.s32 s4, s5;
	[dreg:$0x0] =	wrdreg $0x0  }
0xa9: {  	s5 =	sshll.u32 s28, $0x1;
	[dreg:$0x2] =	wrdreg s4  }
0xaa: {  	[dreg:$0x3] =	wrdreg s5  }
0xab: {  	[dreg:$0x4] =	wrdreg $0xC0  }
0xac: {  	_ =	task [dreg:s8], $0x5FFFF  }
0xad: {  	[dreg:$0x1] =	wrdreg $0xFFFFFFFF  }
0xae: {  	[dreg:$0x0] =	wrdreg $0x60  }
0xaf: {  	[dreg:$0x2] =	wrdreg s2  }
0xb0: {  	[dreg:$0x3] =	wrdreg s19  }
0xb1: {  	[dreg:$0x4] =	wrdreg $0x9  }
0xb2: {  	_ =	task.clear_ibuf [dreg:s8], $0x5FFFF;
	_ =	strace $0x90000046  }
0xb3: {  	s29 =	simm.s32 $0x9;
	_ =	strace $0x80000048  }
0xb4: {  	_ =	swait.ge [sflag:s29], $0x1  }
0xb5: {  	[sflag:s29] =	ssyncadd.s32 $0xFFFFFFFF  }
0xb6: {  	_ =	strace $0x90000048  }
0xb7: {  	_ =	sfence  }
0xb8: {  	s30 =	sld [smem:$0x0];
	_ =	sdelay $0x2  }
0xb9: {  	s31 =	sshll.u32 s1, $0xD;
	s1 =	sshrl.u32 s1, $0x2  }
0xba: {  	s3 =	sand.u32 $0x4000, s31;
	s1 =	sadd.s32 s1, s30  }
0xbb: {  	s0 =	sor.u32 s3, s0;
	s1 =	sshll.u32 s1, $0x11  }
0xbc: {  	s0 =	sor.u32 s1, s0  }
0xbd: {  	s0 =	sadd.s32 $0x8F2B, s0  }
0xbe: {  	[sflag:s0] =	ssyncadd.remote.s32 $0x1  }
0xbf: {  	_ =	sfence.sel $0xFFFF  }
0xc0: {  	[dreg:$0x0] =	wrdreg $0xFFFFFFFF;
	(pc) =	sbr.abs _section_cstart, $3  }
0xc1: {  	[dreg:$0x1] =	wrdreg $0xFFFFFFFF  }
0xc2: {  	_ =	task.clear_ibuf [dreg:s8], $0x2FFFF;
	_ =	strace $0x9FFFFFFF  }
0xc3: {  	(tm) =	ssettm $0x7FFFFFFF  }
tec
execute0_lowered:
.L_overlay_start_1:
0x0: {  	(tag) =	ssettag $0x1  }
0x1: {  	s3 =	rddreg [dreg:$0x0]  }
0x2: {  	s5 =	rddreg [dreg:$0x1];
	s2 =	srdreg.scid  }
0x3: {  	s0 =	rddreg [dreg:$0x2];
	s1 =	stileid.u32  }
0x4: {  	s9 =	simm.s32 $0x1;
	s10 =	simm.s32 $0x2;
	s11 =	simm.s32 $0x0  }
0x5: {  	v0 =	vlaneseq.u32;
	s4 =	sand.u32 $0x1, s2;
	s2 =	simm.s32 $0x0;
	s6 =	sshll.u32 s1, $0xA  }
0x6: {  	v0 =	vmul.u32 $0x4, v0;
	s7 =	sshll.u32 s4, $0x9;
	[smem:$0x7FF] =	sst s2;
	s4 =	ssub.s32 $0x2, s4  }
0x7: {  	s6 =	sor.u32 s7, s6;
	_ =	strace $0x80000047;
	s8 =	sshrl.u32 s4, $0x1  }
0x8: {  	v1 =	vor.u32 $0x40, v0;
	s7 =	sshll.u32 s6, $0x6;
	s6 =	sshll.u32 s6, $0x4;
	s31 =	ssub.s32 s4, s8  }
0x9: {  	v2 =	vor.u32 $0x400, v0;
	v3 =	vor.u32 $0x440, v0;
	v4 =	vor.u32 $0x800, v0;
	s8 =	simm.s32 $0x8000;
	s3 =	sadd.s32 s3, s7;
	s5 =	sadd.s32 s5, s6  }
0xa: {  	v5 =	vor.u32 $0x840, v0;
	v6 =	vor.u32 $0xC00, v0;
	v7 =	vor.u32 $0xC40, v0;
	s7 =	smax.u32 s31, $0x1;
	s4 =	sadd.s32 $0x1000, s3;
	s6 =	sadd.s32 $0x2000, s3  }
.LBB2_1:
0xb: {  	[tilespmem:s2], [sflag:$0x1] =	stream.linear.gather [hbm4b:s3+s2], $0x8000, $0x38;
	[tilespmem:$0x14000] =	vst v63  }
0xc: {  	p0 =	por $0x0, $0x0;
	s12 =	simm.s32 $0x0  }
0xd: {  	[tilespmem:s8], [sflag:$0x1] =	stream.linear.gather [hbm4b:s4+s2], $0x8000, $0x38;
	[tilespmem:$0x14000] =	vst v63  }
.LBB2_2:
0xe: {  	s13 =	simm.s32 $0x1  }
0xf: {  	v8 =	vmov s13  }
0x10: {  	v9 =	vshll.u32 v8, $0x9;
	v8 =	vshll.u32 v8, $0x7  }
0x11: {  	v9 =	vand.u32 $0x7000, v9;
	v8 =	vand.u32 $0x380, v8  }
0x12: {  	_ =	swait.ge [sflag:s9], $0x8000;
	v20 =	vor.u32 v8, v9  }
0x13: {  	p1 =	slt.u32 s12, $0x2;
	[sflag:s9] =	ssyncset.done $0x0;
	v8 =	vor.u32 v0, v20  }
0x14: {  	s14 =	simm.s32 @!p1 $0x2;
	[sflag:s9] =	ssyncadd.s32 $0xFFFF8000  }
0x15: {  	s25 =	simm.s32 $0x0;
	_ =	swait.ge @!p1 [sflag:s14], $0x2000  }
0x16: {  	s17 =	sand.u32 $0x1, s12;
	[sflag:s14] =	ssyncset.done @!p1 $0x0;
	v9 =	vmov s25  }
0x17: {  	s13 =	sshll.u32 s17, $0xF;
	[sflag:s14] =	ssyncadd.s32 @!p1 $0xFFFFE000;
	v21 =	vshll.u32 v9, $0x9;
	v9 =	vshll.u32 v9, $0x7  }
0x18: {  	v10 =	vand.u32 $0x7000, v21;
	v22 =	vand.u32 $0x300, v9;
	v8 =	vld.idx.msk [tilespmem:v8+s13+$0x0], $0xffff  }
0x19: {  	s14 =	simm.s32 $0x1;
	v9 =	vor.u32 v1, v20;
	v17 =	vor.u32 v22, v10  }
0x1a: {  	s14 =	simm.s32 @!p0 $0x0;
	v10 =	vor.u32 v0, v17  }
0x1b: {  	s14 =	sshll.u32 s14, $0xD  }
0x1c: {  	s26 =	simm.s32 $0x3;
	s15 =	sor.u32 $0x10080, s14  }
0x1d: {  	[tilespmem:s15+$0x0] =	vst v8;
	v8 =	vmov s26  }
0x1e: {  	v9 =	vld.idx.msk [tilespmem:v9+s13+$0x0], $0xffff;
	v11 =	vshll.u32 v8, $0x9;
	v8 =	vshll.u32 v8, $0x7  }
0x1f: {  	s28 =	simm.s32 $0x2;
	v12 =	vor.u32 v2, v20;
	v10 =	vld.idx.msk [tilespmem:v10+s13+$0x0], $0xffff;
	v11 =	vand.u32 $0x7000, v11;
	v8 =	vand.u32 $0x380, v8  }
0x20: {  	v13 =	vmov s28;
	v16 =	vor.u32 v1, v17;
	v14 =	vor.u32 v8, v11  }
0x21: {  	v11 =	vshll.u32 v13, $0x9;
	v8 =	vshll.u32 v13, $0x7;
	v13 =	vor.u32 v0, v14  }
0x22: {  	v18 =	vand.u32 $0x7000, v11;
	v15 =	vand.u32 $0x300, v8  }
0x23: {  	v19 =	vor.u32 v15, v18;
	[tilespmem:s15+$0x10] =	vst v9  }
0x24: {  	[tilespmem:s15+$0xFFFFFF80] =	vst v10;
	v8 =	vor.u32 v0, v19;
	v10 =	vld.idx.msk [tilespmem:v12+s13+$0x0], $0xffff  }
0x25: {  	v12 =	vld.idx.msk [tilespmem:v16+s13+$0x0], $0xffff;
	v16 =	vor.u32 v3, v20  }
0x26: {  	v18 =	vor.u32 v2, v17;
	v13 =	vld.idx.msk [tilespmem:v13+s13+$0x0], $0xffff  }
0x27: {  	v23 =	vor.u32 v1, v14  }
0x28: {  	s29 =	simm.s32 $0x4  }
0x29: {  	v24 =	vmov s29;
	v25 =	vld.idx.msk [tilespmem:v8+s13+$0x0], $0xffff;
	[tilespmem:s15+$0x20] =	vst v10  }
0x2a: {  	s16 =	simm.s32 $0x5;
	s14 =	sadd.s32 $0x100, s15;
	v9 =	vshll.u32 v24, $0x9;
	v8 =	vshll.u32 v24, $0x7;
	v24 =	vor.u32 v1, v19;
	[tilespmem:s15+$0xFFFFFF90] =	vst v12;
	v26 =	vld.idx.msk [tilespmem:v16+s13+$0x0], $0xffff  }
0x2b: {  	v10 =	vmov s16;
	v18 =	vld.idx.msk [tilespmem:v18+s13+$0x0], $0xffff;
	[tilespmem:s14+$0x0] =	vst v13;
	v13 =	vor.u32 v4, v20  }
0x2c: {  	v27 =	vor.u32 v3, v17;
	v16 =	vshll.u32 v10, $0x9;
	v10 =	vshll.u32 v10, $0x7;
	v23 =	vld.idx.msk [tilespmem:v23+s13+$0x0], $0xffff  }
0x2d: {  	v29 =	vor.u32 v2, v14;
	v16 =	vand.u32 $0x7000, v16;
	v28 =	vand.u32 $0x380, v10  }
0x2e: {  	v12 =	vand.u32 $0x7000, v9;
	v10 =	vand.u32 $0x300, v8;
	v8 =	vor.u32 v28, v16;
	[tilespmem:s14+$0xFFFFFF80] =	vst v25  }
0x2f: {  	v16 =	vor.u32 v10, v12;
	v25 =	vor.u32 v0, v8;
	v24 =	vld.idx.msk [tilespmem:v24+s13+$0x0], $0xffff;
	[tilespmem:s15+$0x30] =	vst v26  }
0x30: {  	v28 =	vor.u32 v0, v16;
	[tilespmem:s15+$0xFFFFFFA0] =	vst v18;
	v26 =	vld.idx.msk [tilespmem:v13+s13+$0x0], $0xffff  }
0x31: {  	s30 =	simm.s32 $0x6;
	v27 =	vld.idx.msk [tilespmem:v27+s13+$0x0], $0xffff;
	[tilespmem:s14+$0x10] =	vst v23;
	v23 =	vor.u32 v5, v20  }
0x32: {  	v31 =	vor.u32 v4, v17;
	v13 =	vmov s30;
	v29 =	vld.idx.msk [tilespmem:v29+s13+$0x0], $0xffff  }
0x33: {  	v30 =	vor.u32 v2, v19;
	v12 =	vshll.u32 v13, $0x9;
	v13 =	vshll.u32 v13, $0x7  }
0x34: {  	v32 =	vor.u32 v3, v14;
	v25 =	vld.idx.msk [tilespmem:v25+s13+$0x0], $0xffff;
	v18 =	vand.u32 $0x7000, v12;
	v13 =	vand.u32 $0x300, v13;
	[tilespmem:s14+$0xFFFFFF90] =	vst v24  }
0x35: {  	v28 =	vld.idx.msk [tilespmem:v28+s13+$0x0], $0xffff;
	v18 =	vor.u32 v13, v18;
	v24 =	vor.u32 v1, v8;
	[tilespmem:s15+$0x40] =	vst v26  }
0x36: {  	v26 =	vor.u32 v0, v18;
	[tilespmem:s15+$0xFFFFFFB0] =	vst v27;
	v27 =	vld.idx.msk [tilespmem:v23+s13+$0x0], $0xffff  }
0x37: {  	[tilespmem:s14+$0x20] =	vst v29;
	v29 =	vld.idx.msk [tilespmem:v31+s13+$0x0], $0xffff;
	v31 =	vor.u32 v6, v20  }
0x38: {  	s16 =	sadd.s32 $0x100, s14;
	v33 =	vor.u32 v1, v16;
	v30 =	vld.idx.msk [tilespmem:v30+s13+$0x0], $0xffff  }
0x39: {  	s18 =	simm.s32 $0x7;
	[tilespmem:s16+$0x0] =	vst v25;
	v25 =	vor.u32 v3, v19;
	v32 =	vld.idx.msk [tilespmem:v32+s13+$0x0], $0xffff  }
0x3a: {  	v34 =	vor.u32 v4, v14;
	v23 =	vmov s18;
	v24 =	vld.idx.msk [tilespmem:v24+s13+$0x0], $0xffff  }
0x3b: {  	v35 =	vshll.u32 v23, $0x9;
	v36 =	vshll.u32 v23, $0x7;
	v23 =	vld.idx.msk [tilespmem:v26+s13+$0x0], $0xffff;
	v26 =	vor.u32 v5, v17;
	[tilespmem:s15+$0x50] =	vst v27  }
0x3c: {  	v61 =	vor.u32 v2, v8;
	[tilespmem:s16+$0xFFFFFF80] =	vst v28;
	v28 =	vand.u32 $0x380, v36;
	v17 =	vand.u32 $0x7000, v35;
	v27 =	vld.idx.msk [tilespmem:v31+s13+$0x0], $0xffff  }
0x3d: {  	v20 =	vor.u32 v7, v20;
	v33 =	vld.idx.msk [tilespmem:v33+s13+$0x0], $0xffff;
	[tilespmem:s14+$0xFFFFFFA0] =	vst v30;
	v17 =	vor.u32 v28, v17  }
0x3e: {  	v28 =	vor.u32 v0, v17;
	v30 =	vld.idx.msk [tilespmem:v25+s13+$0x0], $0xffff;
	[tilespmem:s14+$0x30] =	vst v32  }
0x3f: {  	[tilespmem:s15+$0xFFFFFFC0] =	vst v29;
	v25 =	vor.u32 v2, v16;
	v31 =	vld.idx.msk [tilespmem:v34+s13+$0x0], $0xffff  }
0x40: {  	s31 =	simm.s32 $0x8;
	[tilespmem:s16+$0x10] =	vst v24;
	v62 =	vld.idx.msk [tilespmem:v26+s13+$0x0], $0xffff;
	v26 =	vor.u32 v5, v14  }
0x41: {  	v63 =	vor.u32 v4, v19;
	v24 =	vor.u32 v22, v21;
	v21 =	vmov s31;
	v35 =	vld.idx.msk [tilespmem:v61+s13+$0x0], $0xffff;
	[tilespmem:s15+$0x60] =	vst v27  }
0x42: {  	v37 =	vor.u32 v3, v8;
	v27 =	vld.idx.msk [tilespmem:v20+s13+$0x0], $0xffff;
	v20 =	vshll.u32 v21, $0x9;
	v21 =	vshll.u32 v21, $0x7  }
0x43: {  	[tilespmem:s16+$0xFFFFFF90] =	vst v33;
	v38 =	vor.u32 v6, v24;
	v28 =	vld.idx.msk [tilespmem:v28+s13+$0x0], $0xffff;
	v22 =	vand.u32 $0x7000, v20;
	v21 =	vand.u32 $0x300, v21  }
0x44: {  	v34 =	vor.u32 v1, v17;
	v25 =	vld.idx.msk [tilespmem:v25+s13+$0x0], $0xffff;
	[tilespmem:s14+$0x40] =	vst v31;
	v22 =	vor.u32 v21, v22  }
0x45: {  	[tilespmem:s14+$0xFFFFFFB0] =	vst v30;
	v29 =	vld.idx.msk [tilespmem:v26+s13+$0x0], $0xffff;
	v31 =	vor.u32 v0, v22  }
0x46: {  	v32 =	vor.u32 v1, v18;
	[tilespmem:s16+$0x20] =	vst v35;
	v26 =	vld.idx.msk [tilespmem:v63+s13+$0x0], $0xffff  }
0x47: {  	s17 =	sshll.u32 s17, $0xD;
	s18 =	sadd.s32 $0x100, s16;
	v33 =	vor.u32 v6, v14;
	[tilespmem:s15+$0xFFFFFFD0] =	vst v62;
	v30 =	vld.idx.msk [tilespmem:v37+s13+$0x0], $0xffff  }
0x48: {  	s21 =	simm.s32 $0x9;
	s19 =	simm.s32 $0xA;
	s17 =	sor.u32 $0x10000, s17;
	v35 =	vor.u32 v3, v16;
	[tilespmem:s18+$0x0] =	vst v28;
	v28 =	vld.idx.msk [tilespmem:v38+s13+$0x0], $0xffff  }
.LBB2_3:
0x49: {  	p1 =	slt.u32 s19, $0x3E;
	v36 =	vmov s21;
	v34 =	vld.idx.msk [tilespmem:v34+s13+$0x0], $0xffff;
	v37 =	vor.u32 v4, v8;
	[tilespmem:s15+$0x70] =	vst v27;
	s20 =	smov.u32 s18  }
0x4a: {  	v27 =	vshll.u32 v36, $0x9;
	v36 =	vshll.u32 v36, $0x7;
	[tilespmem:s18+$0xFFFFFF80] =	vst v23;
	v23 =	vld.idx.msk [tilespmem:v31+s13+$0x0], $0xffff;
	v31 =	vor.u32 v5, v19;
	v19 =	vmovc v16  }
0x4b: {  	v38 =	vor.u32 v2, v17;
	v16 =	vmovc v18;
	v27 =	vand.u32 $0x7000, v27;
	v36 =	vand.u32 $0x380, v36;
	v32 =	vld.idx.msk [tilespmem:v32+s13+$0x0], $0xffff;
	[tilespmem:s14+$0x50] =	vst v29  }
0x4c: {  	v24 =	vor.u32 v7, v24;
	v18 =	vmov v22;
	v27 =	vor.u32 v36, v27;
	[tilespmem:s16+$0xFFFFFFA0] =	vst v25;
	v25 =	vld.idx.msk [tilespmem:v33+s13+$0x0], $0xffff  }
0x4d: {  	v22 =	vor.u32 v0, v27;
	v29 =	vld.idx.msk [tilespmem:v35+s13+$0x0], $0xffff;
	[tilespmem:s16+$0x30] =	vst v30  }
0x4e: {  	v30 =	vld.idx.msk [tilespmem:v37+s13+$0x0], $0xffff;
	[tilespmem:s14+$0xFFFFFFC0] =	vst v26;
	v26 =	vor.u32 v7, v14;
	v14 =	vmovc v8;
	v8 =	vmov v17;
	v17 =	vmov v27  }
0x4f: {  	v33 =	vor.u32 v2, v16;
	[tilespmem:s18+$0x10] =	vst v34;
	v35 =	vld.idx.msk [tilespmem:v31+s13+$0x0], $0xffff  }
0x50: {  	v27 =	vmov s19;
	v37 =	vor.u32 v5, v14;
	v36 =	vld.idx.msk [tilespmem:v38+s13+$0x0], $0xffff;
	[tilespmem:s15+$0xFFFFFFE0] =	vst v28  }
0x51: {  	v28 =	vshll.u32 v27, $0x9;
	v38 =	vor.u32 v4, v19;
	[tilespmem:s18+$0xFFFFFF90] =	vst v32;
	v39 =	vld.idx.msk [tilespmem:v24+s13+$0x0], $0xffff  }
0x52: {  	v41 =	vor.u32 v3, v8;
	v27 =	vshll.u32 v27, $0x7;
	v24 =	vor.u32 v15, v11;
	v40 =	vld.idx.msk [tilespmem:v22+s13+$0x0], $0xffff;
	[tilespmem:s14+$0x60] =	vst v25  }
0x53: {  	v32 =	vand.u32 $0x7000, v28;
	v42 =	vand.u32 $0x300, v27;
	v11 =	vmovc v9;
	v43 =	vor.u32 v6, v24;
	[tilespmem:s16+$0xFFFFFFB0] =	vst v29;
	v27 =	vld.idx.msk [tilespmem:v26+s13+$0x0], $0xffff  }
.Ltmp0:
0x54: {  	v34 =	vor.u32 v1, v17;
	v9 =	vmov v12;
	v22 =	vor.u32 v42, v32;
	v25 =	vld.idx.msk [tilespmem:v33+s13+$0x0], $0xffff;
	[tilespmem:s16+$0x40] =	vst v30;
	(pc) =	sbr.rel @p1 .LBB2_3-.Ltmp0, $4  }
0x55: {  	v12 =	vmovc v20;
	v20 =	vmov v28;
	v15 =	vmov v10;
	v31 =	vor.u32 v0, v22;
	v29 =	vld.idx.msk [tilespmem:v37+s13+$0x0], $0xffff;
	[tilespmem:s14+$0xFFFFFFD0] =	vst v35  }
0x56: {  	v10 =	vmovc v13;
	v13 =	vmov v21;
	v32 =	vor.u32 v1, v18;
	v21 =	vmov v42;
	[tilespmem:s18+$0x20] =	vst v36;
	v26 =	vld.idx.msk [tilespmem:v38+s13+$0x0], $0xffff  }
0x57: {  	v33 =	vor.u32 v6, v14;
	s18 =	sadd.s32 $0x100, s18;
	v30 =	vld.idx.msk [tilespmem:v41+s13+$0x0], $0xffff;
	[tilespmem:s15+$0xFFFFFFF0] =	vst v39;
	s15 =	smov.u32 s14;
	s14 =	smov.u32 s16  }
0x58: {  	s21 =	sadd.s32 $0x1, s19;
	s19 =	sadd.s32 $0x2, s19;
	v35 =	vor.u32 v3, v16;
	s16 =	smov.u32 s20;
	[tilespmem:s18+$0x0] =	vst v40;
	v28 =	vld.idx.msk [tilespmem:v43+s13+$0x0], $0xffff  }
0x59: {  	v36 =	vmov s21  }
0x5a: {  	v37 =	vshll.u32 v36, $0x9;
	v36 =	vshll.u32 v36, $0x7  }
0x5b: {  	v37 =	vand.u32 $0x7000, v37;
	v36 =	vand.u32 $0x380, v36  }
0x5c: {  	v36 =	vor.u32 v36, v37  }
0x5d: {  	v37 =	vor.u32 v0, v36  }
0x5e: {  	[tilespmem:s15+$0x70] =	vst v27  }
0x5f: {  	[tilespmem:s18+$0xFFFFFF80] =	vst v23  }
0x60: {  	v50 =	vld.idx.msk [tilespmem:v34+s13+$0x0], $0xffff;
	[tilespmem:s16+$0xFFFFFFA0] =	vst v25  }
0x61: {  	v51 =	vor.u32 v4, v8;
	v53 =	vld.idx.msk [tilespmem:v31+s13+$0x0], $0xffff;
	[tilespmem:s14+$0x50] =	vst v29  }
0x62: {  	v56 =	vor.u32 v1, v22;
	[tilespmem:s14+$0xFFFFFFC0] =	vst v26;
	v52 =	vld.idx.msk [tilespmem:v37+s13+$0x0], $0xffff  }
0x63: {  	v55 =	vld.idx.msk [tilespmem:v32+s13+$0x0], $0xffff;
	[tilespmem:s16+$0x30] =	vst v30;
	v54 =	vor.u32 v1, v36  }
0x64: {  	v19 =	vor.u32 v5, v19;
	v59 =	vld.idx.msk [tilespmem:v35+s13+$0x0], $0xffff;
	[tilespmem:s15+$0xFFFFFFE0] =	vst v28  }
0x65: {  	s19 =	sadd.s32 $0x100, s18;
	v24 =	vor.u32 v7, v24;
	v57 =	vld.idx.msk [tilespmem:v33+s13+$0x0], $0xffff;
	[tilespmem:s18+$0x10] =	vst v50  }
0x66: {  	v58 =	vor.u32 v2, v17;
	v23 =	vld.idx.msk [tilespmem:v51+s13+$0x0], $0xffff;
	[tilespmem:s19+$0xFFFFFF80] =	vst v53  }
0x67: {  	v60 =	vor.u32 v2, v18;
	v26 =	vld.idx.msk [tilespmem:v56+s13+$0x0], $0xffff;
	[tilespmem:s19+$0x0] =	vst v52  }
0x68: {  	v63 =	vor.u32 v2, v22;
	[tilespmem:s18+$0xFFFFFF90] =	vst v55;
	v61 =	vld.idx.msk [tilespmem:v54+s13+$0x0], $0xffff  }
0x69: {  	v62 =	vor.u32 v2, v36;
	v19 =	vld.idx.msk [tilespmem:v19+s13+$0x0], $0xffff;
	[tilespmem:s16+$0xFFFFFFB0] =	vst v59  }
0x6a: {  	v39 =	vor.u32 v4, v16;
	v24 =	vld.idx.msk [tilespmem:v24+s13+$0x0], $0xffff;
	[tilespmem:s14+$0x60] =	vst v57  }
0x6b: {  	v14 =	vor.u32 v7, v14;
	v27 =	vld.idx.msk [tilespmem:v58+s13+$0x0], $0xffff;
	[tilespmem:s16+$0x40] =	vst v23  }
0x6c: {  	v34 =	vor.u32 v3, v17;
	v25 =	vld.idx.msk [tilespmem:v60+s13+$0x0], $0xffff;
	[tilespmem:s19+$0xFFFFFF90] =	vst v26  }
0x6d: {  	v35 =	vor.u32 v3, v18;
	v26 =	vld.idx.msk [tilespmem:v63+s13+$0x0], $0xffff;
	[tilespmem:s19+$0x10] =	vst v61  }
0x6e: {  	v38 =	vor.u32 v3, v22;
	[tilespmem:s14+$0xFFFFFFD0] =	vst v19;
	v29 =	vld.idx.msk [tilespmem:v62+s13+$0x0], $0xffff  }
0x6f: {  	v45 =	vld.idx.msk [tilespmem:v39+s13+$0x0], $0xffff;
	v37 =	vor.u32 v3, v36;
	[tilespmem:s15+$0xFFFFFFF0] =	vst v24  }
0x70: {  	v11 =	vor.u32 v15, v11;
	v33 =	vor.u32 v5, v8;
	v14 =	vld.idx.msk [tilespmem:v14+s13+$0x0], $0xffff;
	[tilespmem:s18+$0x20] =	vst v27  }
0x71: {  	v41 =	vor.u32 v6, v11;
	v23 =	vld.idx.msk [tilespmem:v34+s13+$0x0], $0xffff;
	[tilespmem:s18+$0xFFFFFFA0] =	vst v25  }
0x72: {  	v42 =	vor.u32 v4, v17;
	v28 =	vld.idx.msk [tilespmem:v35+s13+$0x0], $0xffff;
	[tilespmem:s19+$0xFFFFFFA0] =	vst v26  }
0x73: {  	v43 =	vor.u32 v4, v18;
	v26 =	vld.idx.msk [tilespmem:v38+s13+$0x0], $0xffff;
	[tilespmem:s19+$0x20] =	vst v29  }
0x74: {  	v46 =	vor.u32 v4, v22;
	[tilespmem:s16+$0xFFFFFFC0] =	vst v45;
	v19 =	vld.idx.msk [tilespmem:v37+s13+$0x0], $0xffff  }
0x75: {  	v44 =	vor.u32 v4, v36;
	v40 =	vld.idx.msk [tilespmem:v33+s13+$0x0], $0xffff;
	[tilespmem:s14+$0x70] =	vst v14  }
0x76: {  	v48 =	vor.u32 v5, v16;
	v24 =	vld.idx.msk [tilespmem:v41+s13+$0x0], $0xffff;
	[tilespmem:s18+$0x30] =	vst v23  }
0x77: {  	v47 =	vor.u32 v6, v8;
	v23 =	vld.idx.msk [tilespmem:v42+s13+$0x0], $0xffff;
	[tilespmem:s18+$0xFFFFFFB0] =	vst v28  }
0x78: {  	v49 =	vor.u32 v5, v17;
	v28 =	vld.idx.msk [tilespmem:v43+s13+$0x0], $0xffff;
	[tilespmem:s19+$0xFFFFFFB0] =	vst v26  }
0x79: {  	v50 =	vor.u32 v5, v18;
	v15 =	vld.idx.msk [tilespmem:v46+s13+$0x0], $0xffff;
	[tilespmem:s19+$0x30] =	vst v19  }
0x7a: {  	v53 =	vor.u32 v5, v22;
	[tilespmem:s16+$0x50] =	vst v40;
	v14 =	vld.idx.msk [tilespmem:v44+s13+$0x0], $0xffff  }
0x7b: {  	v9 =	vor.u32 v10, v9;
	v51 =	vor.u32 v5, v36;
	v16 =	vld.idx.msk [tilespmem:v48+s13+$0x0], $0xffff;
	[tilespmem:s14+$0xFFFFFFE0] =	vst v24  }
0x7c: {  	v10 =	vor.u32 v6, v9;
	v52 =	vld.idx.msk [tilespmem:v47+s13+$0x0], $0xffff;
	[tilespmem:s18+$0x40] =	vst v23  }
0x7d: {  	v8 =	vor.u32 v7, v8;
	v23 =	vld.idx.msk [tilespmem:v49+s13+$0x0], $0xffff;
	[tilespmem:s18+$0xFFFFFFC0] =	vst v28  }
0x7e: {  	v12 =	vor.u32 v13, v12;
	v54 =	vor.u32 v6, v17;
	v18 =	vld.idx.msk [tilespmem:v50+s13+$0x0], $0xffff;
	[tilespmem:s19+$0xFFFFFFC0] =	vst v15  }
0x7f: {  	v20 =	vor.u32 v21, v20;
	v13 =	vor.u32 v6, v12;
	v56 =	vld.idx.msk [tilespmem:v53+s13+$0x0], $0xffff;
	[tilespmem:s19+$0x40] =	vst v14  }
0x80: {  	v57 =	vor.u32 v6, v20;
	[tilespmem:s16+$0xFFFFFFD0] =	vst v16;
	v14 =	vld.idx.msk [tilespmem:v51+s13+$0x0], $0xffff  }
0x81: {  	v55 =	vor.u32 v6, v36;
	v10 =	vld.idx.msk [tilespmem:v10+s13+$0x0], $0xffff;
	[tilespmem:s16+$0x60] =	vst v52  }
0x82: {  	v11 =	vor.u32 v7, v11;
	v8 =	vld.idx.msk [tilespmem:v8+s13+$0x0], $0xffff;
	[tilespmem:s18+$0x50] =	vst v23  }
0x83: {  	v9 =	vor.u32 v7, v9;
	v58 =	vld.idx.msk [tilespmem:v54+s13+$0x0], $0xffff;
	[tilespmem:s18+$0xFFFFFFD0] =	vst v18  }
0x84: {  	v59 =	vor.u32 v7, v17;
	v13 =	vld.idx.msk [tilespmem:v13+s13+$0x0], $0xffff;
	[tilespmem:s19+$0xFFFFFFD0] =	vst v56  }
0x85: {  	v12 =	vor.u32 v7, v12;
	v61 =	vld.idx.msk [tilespmem:v57+s13+$0x0], $0xffff;
	[tilespmem:s19+$0x50] =	vst v14  }
0x86: {  	v62 =	vor.u32 v7, v20;
	[tilespmem:s16+$0xFFFFFFE0] =	vst v10;
	v14 =	vld.idx.msk [tilespmem:v55+s13+$0x0], $0xffff  }
0x87: {  	v60 =	vor.u32 v7, v36;
	v11 =	vld.idx.msk [tilespmem:v11+s13+$0x0], $0xffff;
	[tilespmem:s16+$0x70] =	vst v8  }
0x88: {  	v9 =	vld.idx.msk [tilespmem:v9+s13+$0x0], $0xffff;
	[tilespmem:s18+$0x60] =	vst v58  }
0x89: {  	v63 =	vld.idx.msk [tilespmem:v59+s13+$0x0], $0xffff;
	[tilespmem:s18+$0xFFFFFFE0] =	vst v13  }
0x8a: {  	v12 =	vld.idx.msk [tilespmem:v12+s13+$0x0], $0xffff;
	[tilespmem:s19+$0xFFFFFFE0] =	vst v61  }
0x8b: {  	v8 =	vld.idx.msk [tilespmem:v62+s13+$0x0], $0xffff;
	[tilespmem:s19+$0x60] =	vst v14  }
0x8c: {  	[tilespmem:s14+$0xFFFFFFF0] =	vst v11;
	v11 =	vld.idx.msk [tilespmem:v60+s13+$0x0], $0xffff  }
0x8d: {  	[tilespmem:s16+$0xFFFFFFF0] =	vst v9  }
0x8e: {  	[tilespmem:s18+$0x70] =	vst v63  }
0x8f: {  	[tilespmem:s18+$0xFFFFFFF0] =	vst v12  }
0x90: {  	s31 =	sshll.u32 s12, $0xA;
	[tilespmem:s19+$0xFFFFFFF0] =	vst v8  }
0x91: {  	p1 =	sgt.u32 s12, $0x5;
	s13 =	sadd.s32 s31, s5;
	[tilespmem:s19+$0x70] =	vst v11  }
0x92: {  	[hbm4b:s13+s2] =	stream.linear.scatter [tilespmem:s17], [sflag:$0x2], $0x2000, $0x38;
	[tilespmem:$0x14000] =	vst v63  }
0x93: {  	s15 =	simm.s32 @!p1 $0x0;
	s14 =	sshll.u32 @!p1 s12, $0xF;
	s13 =	sshll.u32 @!p1 s12, $0xC  }
0x94: {  	s14 =	sand.u32 @!p1 $0x8000, s14;
	s12 =	sadd.s32 $0x1, s12;
	s13 =	sadd.s32 @!p1 s13, s6  }
0x95: {  	[tilespmem:s14], [sflag:$0x1] =	stream.linear.gather @!p1 [hbm4b:s13+s15], $0x8000, $0x38;
	[tilespmem:$0x14000] =	vst v63  }
0x96: {  	p1 =	sne.s32 s12, $0x8  }
.Ltmp1:
0x97: {  	_ = 	snop;
	(pc) =	sbr.rel @p1 .LBB2_2-.Ltmp1, $2  }
0x98: {  	_ =	sdelay $0x2  }
0x99: {  	p0 =	por !p0, !p0  }
0x9a: {  	s11 =	sadd.s32 $0x1, s11  }
0x9b: {  	_ =	swait.ge [sflag:s10], $0x2000;
	p0 =	sne.s32 s11, s7  }
.Ltmp2:
0x9c: {  	[sflag:s10] =	ssyncset.done $0x0;
	(pc) =	sbr.rel @p0 .LBB2_1-.Ltmp2, $4  }
0x9d: {  	[sflag:s10] =	ssyncadd.s32 $0xFFFFE000  }
0x9e: {  	_ =	swait.ge [sflag:s10], $0x2000  }
0x9f: {  	[sflag:s10] =	ssyncset.done $0x0  }
0xa0: {  	[sflag:s10] =	ssyncadd.s32 $0xFFFFE000  }
0xa1: {  	_ =	sfence.sel $0x180000  }
0xa2: {  	[bflag:$0x0] =	sbarrier.arrive $0xFFFF  }
0xa3: {  	p0 =	sne.s32 s1, $0x0;
	_ =	strace $0x90000047  }
0xa4: {  	s0 =	sadd.s32 @!p0 $0x100000, s0;
	[bflag:$0x2] =	sbarrier.arrive $0xFFFF  }
0xa5: {  	[sflag:s0] =	ssyncadd.tile.s32 @!p0 $0x1;
	_ =	shalt  }
.Lfunc_end2:
_tile_overlayer_lowered:
.L_overlay_start_2:
0xa6: {  	(tag) =	ssettag $0x2  }
0xa7: {  	s0 =	rddreg [dreg:$0x0];
	s2 =	stileid.u32  }
0xa8: {  	s1 =	rddreg [dreg:$0x1];
	p0 =	sne.s32 s2, $0x0  }
0xa9: {  	s3 =	rddreg [dreg:$0x2];
	[bflag:$0x3] =	sbarrier.arrive $0xFFFF;
	s2 =	simm.s32 @!p0 $0x1C03  }
0xaa: {  	[timem:s3], [sflag:s2] =	dma.local @!p0 [hbm:s0], s1  }
0xab: {  	s0 =	simm.s32 @!p0 $0x3  }
0xac: {  	_ =	swait.ge @!p0 [sflag:s0], s1  }
0xad: {  	s1 =	ssub.s32 @!p0 $0x0, s1;
	[sflag:s0] =	ssyncset.done @!p0 $0x0  }
0xae: {  	[sflag:s0] =	ssyncadd.s32 @!p0 s1  }
0xaf: {  	[bflag:$0x3] =	sbarrier.arrive $0xFFFF  }
0xb0: {  	_ =	shalt  }

</sc_bundles>
